<compile_context>
chip_gen: v7x
topology: tpu7x:2x2x1
jax: 0.10.2.dev20260603
libtpu: 0.0.44.dev20260713+nightly
codegen_flags: <defaults>
</compile_context>

<pallas_src>
import functools

import jax
import jax.numpy as jnp
from jax import lax
from jax.experimental import pallas as pl
from jax.experimental.pallas import tpu as pltpu
from jax.experimental.pallas import tpu_sc as plsc

NC = 2
NS = 16
NW = NC * NS
LANE = 128


def _sc_aggregate(x_pad, src2d, dst2d, zeros_hbm, acc_rows, rows_per_worker):
    rows_per_sub = acc_rows // NS
    half = rows_per_worker // 2
    mesh = plsc.VectorSubcoreMesh(core_axis_name="c", subcore_axis_name="s")

    @functools.partial(
        pl.kernel,
        mesh=mesh,
        out_type=jax.ShapeDtypeStruct((NC, acc_rows, LANE), jnp.float32),
        scratch_types=[
            pltpu.VMEM_SHARED((acc_rows, LANE), jnp.float32),
            pltpu.VMEM((half, LANE), jnp.int32),
            pltpu.VMEM((half, LANE), jnp.int32),
            pltpu.VMEM((LANE, LANE), jnp.float32),
            pltpu.VMEM((LANE, LANE), jnp.float32),
            pltpu.SemaphoreType.DMA,
            pltpu.SemaphoreType.DMA,
        ],
    )
    def agg_kernel(x_hbm, src_hbm, dst_hbm, z_hbm, out_hbm,
                   acc, src_v, dst_v, rows0, rows1, sem0, sem1):
        c = lax.axis_index("c")
        s = lax.axis_index("s")
        wid = c * NS + s

        pltpu.sync_copy(z_hbm, acc.at[pl.ds(s * rows_per_sub, rows_per_sub)])
        plsc.subcore_barrier()

        bufs = (rows0, rows1)
        sems = (sem0, sem1)
        base = wid * rows_per_worker

        for h in range(2):
            pltpu.sync_copy(src_hbm.at[pl.ds(base + h * half, half)], src_v)
            pltpu.sync_copy(dst_hbm.at[pl.ds(base + h * half, half)], dst_v)
            pltpu.async_copy(x_hbm.at[src_v.at[0]], rows0, sem0)

            def step(g, carry):
                for b in range(2):
                    j = 2 * g + b
                    pltpu.make_async_copy(x_hbm.at[src_v.at[j]], bufs[b],
                                          sems[b]).wait()

                    @pl.when(j + 1 < half)
                    def _():
                        pltpu.async_copy(x_hbm.at[src_v.at[j + 1]],
                                         bufs[1 - b], sems[1 - b])

                    pltpu.sync_copy(bufs[b], acc.at[dst_v.at[j]], add=True)
                return carry

            lax.fori_loop(0, half // 2, step, 0)
        plsc.subcore_barrier()

        pltpu.sync_copy(acc.at[pl.ds(s * rows_per_sub, rows_per_sub)],
                        out_hbm.at[c, pl.ds(s * rows_per_sub, rows_per_sub)])

    return agg_kernel(x_pad, src2d, dst2d, zeros_hbm)


def _tc_combine(partials, x, W_rel, b_rel, W_root):
    n = x.shape[0]
    blk = 80
    grid = n // blk

    def body(p_ref, x_ref, wrel_ref, wroot_ref, b_ref, o_ref):
        agg = p_ref[0] + p_ref[1]
        o_ref[...] = (
            lax.dot_general(agg, wrel_ref[...], (((1,), (1,)), ((), ())),
                            preferred_element_type=jnp.float32)
            + lax.dot_general(x_ref[...], wroot_ref[...], (((1,), (1,)), ((), ())),
                              preferred_element_type=jnp.float32)
            + b_ref[...]
        )

    return pl.pallas_call(
        body,
        grid=(grid,),
        in_specs=[
            pl.BlockSpec((NC, blk, LANE), lambda i: (0, i, 0)),
            pl.BlockSpec((blk, LANE), lambda i: (i, 0)),
            pl.BlockSpec((LANE, LANE), lambda i: (0, 0)),
            pl.BlockSpec((LANE, LANE), lambda i: (0, 0)),
            pl.BlockSpec((1, LANE), lambda i: (0, 0)),
        ],
        out_specs=pl.BlockSpec((blk, LANE), lambda i: (i, 0)),
        out_shape=jax.ShapeDtypeStruct((n, LANE), jnp.float32),
    )(partials, x, W_rel, W_root, b_rel.reshape(1, LANE))


def kernel(x, edge_index, W_rel, b_rel, W_root):
    n, d = x.shape
    e = edge_index.shape[1]
    src = edge_index[0].astype(jnp.int32)
    dst = edge_index[1].astype(jnp.int32)

    per_worker = 16 * LANE * ((e + NW * 16 * LANE - 1) // (NW * 16 * LANE))
    e_pad = NW * per_worker
    pad = e_pad - e
    src = jnp.concatenate([src, n + (jnp.arange(pad, dtype=jnp.int32) % 16)])
    dst = jnp.concatenate([dst, jnp.arange(pad, dtype=jnp.int32) % n])
    src2d = src.reshape(-1, LANE)
    dst2d = dst.reshape(-1, LANE)

    x_rows = ((n + 16 + 7) // 8) * 8
    x_pad = jnp.zeros((x_rows, d), jnp.float32).at[:n].set(x)

    acc_rows = ((n + 1 + NS * 8 - 1) // (NS * 8)) * (NS * 8)
    zeros_hbm = jnp.zeros((acc_rows // NS, LANE), jnp.float32)

    partials = _sc_aggregate(x_pad, src2d, dst2d, zeros_hbm,
                             acc_rows, per_worker // LANE)
    return _tc_combine(partials[:, :n], x, W_rel, b_rel, W_root)

# --- scband reference (transcript-rebuilt; emitter-appended) ---
"""Pipeline reference for scband-gnn-kernel-38328288150249 (READ-ONLY COPY).

The authoritative reference and input builder live on the scoring server;
editing this copy changes nothing except your own understanding.
"""

import jax, jax.numpy as jnp
import numpy as np

N_NODES = 10000
N_EDGES = 320000
IN_DIM = 128
OUT_DIM = 128


def setup_inputs(seed: int = 0) -> dict:
    key = jax.random.key(seed)
    k1, k2, k3, k4, k5 = jax.random.split(key, 5)
    x = jax.random.normal(k1, (N_NODES, IN_DIM), dtype=jnp.float32)
    edge_index = jax.random.randint(k2, (2, N_EDGES), 0, N_NODES, dtype=jnp.int64)
    # GraphConv params (PyG): lin_rel = Linear(in, out, bias=True); lin_root = Linear(in, out, bias=False)
    lim = 1.0 / np.sqrt(IN_DIM)
    W_rel = jax.random.uniform(k3, (OUT_DIM, IN_DIM), dtype=jnp.float32, minval=-lim, maxval=lim)
    b_rel = jax.random.uniform(k4, (OUT_DIM,), dtype=jnp.float32, minval=-lim, maxval=lim)
    W_root = jax.random.uniform(k5, (OUT_DIM, IN_DIM), dtype=jnp.float32, minval=-lim, maxval=lim)
    return {"x": x, "edge_index": edge_index, "W_rel": W_rel, "b_rel": b_rel, "W_root": W_root}


def reference(x, edge_index, W_rel, b_rel, W_root):
    # PyG GraphConv with aggr='add', flow='source_to_target':
    # out = lin_rel(sum_{j in N(i)} x_j) + lin_root(x_i)
    src = edge_index[0]
    dst = edge_index[1]
    msg = jnp.take(x, src, axis=0)                      # gather: [E, in_dim]
    agg = jax.ops.segment_sum(msg, dst, num_segments=x.shape[0])  # scatter-add: [N, in_dim]
    out = agg @ W_rel.T + b_rel + x @ W_root.T
    return out

if __name__ == "__main__":
    import jax
    _d = setup_inputs()
    print(jax.jit(kernel)(*tuple(_d.values())))

</pallas_src>

<mosaic_0001>
#map = affine_map<(d0, d1) -> (0, 0)>
#map1 = affine_map<(d0, d1) -> (0, 0, 0)>
module attributes {stable_mosaic.version = 14 : i64} {
  func.func @agg_kernel(%arg0: i32, %arg1: i32, %arg2: memref<10016x128xf32, #tpu.memory_space<hbm>>, %arg3: memref<2560x128xi32, #tpu.memory_space<hbm>>, %arg4: memref<2560x128xi32, #tpu.memory_space<hbm>>, %arg5: memref<632x128xf32, #tpu.memory_space<hbm>>, %arg6: memref<2x10112x128xf32, #tpu.memory_space<hbm>>, %arg7: memref<10112x128xf32, #tpu.memory_space<vmem_shared>>, %arg8: memref<40x128xi32, #tpu.memory_space<vmem>>, %arg9: memref<40x128xi32, #tpu.memory_space<vmem>>, %arg10: memref<128x128xf32, #tpu.memory_space<vmem>>, %arg11: memref<128x128xf32, #tpu.memory_space<vmem>>, %arg12: memref<!tpu.dma_semaphore, #tpu.memory_space<semaphore_mem>>, %arg13: memref<!tpu.dma_semaphore, #tpu.memory_space<semaphore_mem>>) attributes {dimension_semantics = [#tpu.dimension_semantics<core_parallel>, #tpu.dimension_semantics<subcore_parallel>], iteration_bounds = array<i64: 2, 16>, scalar_prefetch = 0 : i64, scratch_operands = 7 : i64, tpu.core_type = #tpu.core_type<sc_vector_subcore>, window_params = [{transform_indices = #map}, {transform_indices = #map}, {transform_indices = #map}, {transform_indices = #map}, {transform_indices = #map1}]} {
    %mul3A = arith.constant 16 : i32
    %mul3A_0 = arith.muli %arg0, %mul3A : i32
    %add3A = arith.addi %mul3A_0, %arg1 : i32
    %mul3A_1 = arith.constant 632 : i32
    %mul3A_2 = arith.muli %arg1, %mul3A_1 : i32
    "tpu.region"() ({
      %run_scoped3A = tpu.sem_alloc : memref<!tpu.dma_semaphore, #tpu.memory_space<semaphore_mem>>
      %dma_start3A_42 = arith.constant 0 : i32
      %dma_start3A_43 = tpu.memref_slice %arg7[%mul3A_2, %dma_start3A_42] : memref<10112x128xf32, #tpu.memory_space<vmem_shared>> -> memref<632x128xf32, #tpu.memory_space<vmem_shared>>
      tpu.enqueue_dma source(%arg5 : memref<632x128xf32, #tpu.memory_space<hbm>>) target(%dma_start3A_43 : memref<632x128xf32, #tpu.memory_space<vmem_shared>>) target_semaphore(%run_scoped3A : memref<!tpu.dma_semaphore, #tpu.memory_space<semaphore_mem>>)
      %dma_wait3A = arith.constant 0 : i32
      %dma_wait3A_44 = tpu.memref_slice %arg7[%mul3A_2, %dma_wait3A] : memref<10112x128xf32, #tpu.memory_space<vmem_shared>> -> memref<632x128xf32, #tpu.memory_space<vmem_shared>>
      tpu.wait_dma2 semaphore(%run_scoped3A : memref<!tpu.dma_semaphore, #tpu.memory_space<semaphore_mem>>) src(%arg5 : memref<632x128xf32, #tpu.memory_space<hbm>>) dst(%dma_wait3A_44 : memref<632x128xf32, #tpu.memory_space<vmem_shared>>)
      tpu.yield
    }) : () -> ()
    %barrier3A = arith.constant 0 : index
    tpu.barrier barrier_id(%barrier3A)
    %mul3A_3 = arith.constant 80 : i32
    %mul3A_4 = arith.muli %add3A, %mul3A_3 : i32
    %add3A_5 = arith.constant 0 : i32
    %add3A_6 = arith.addi %mul3A_4, %add3A_5 : i32
    "tpu.region"() ({
      %run_scoped3A = tpu.sem_alloc : memref<!tpu.dma_semaphore, #tpu.memory_space<semaphore_mem>>
      %dma_start3A_42 = arith.constant 0 : i32
      %dma_start3A_43 = tpu.memref_slice %arg3[%add3A_6, %dma_start3A_42] : memref<2560x128xi32, #tpu.memory_space<hbm>> -> memref<40x128xi32, #tpu.memory_space<hbm>>
      %dma_start3A_44 = arith.constant 0 : i32
      %dma_start3A_45 = tpu.memref_slice %arg3[%add3A_6, %dma_start3A_44] : memref<2560x128xi32, #tpu.memory_space<hbm>> -> memref<40x128xi32, #tpu.memory_space<hbm>>
      tpu.enqueue_dma source(%dma_start3A_45 : memref<40x128xi32, #tpu.memory_space<hbm>>) target(%arg8 : memref<40x128xi32, #tpu.memory_space<vmem>>) target_semaphore(%run_scoped3A : memref<!tpu.dma_semaphore, #tpu.memory_space<semaphore_mem>>)
      %dma_wait3A = arith.constant 0 : i32
      %dma_wait3A_46 = tpu.memref_slice %arg3[%add3A_6, %dma_wait3A] : memref<2560x128xi32, #tpu.memory_space<hbm>> -> memref<40x128xi32, #tpu.memory_space<hbm>>
      %dma_wait3A_47 = arith.constant 0 : i32
      %dma_wait3A_48 = tpu.memref_slice %arg3[%add3A_6, %dma_wait3A_47] : memref<2560x128xi32, #tpu.memory_space<hbm>> -> memref<40x128xi32, #tpu.memory_space<hbm>>
      tpu.wait_dma2 semaphore(%run_scoped3A : memref<!tpu.dma_semaphore, #tpu.memory_space<semaphore_mem>>) src(%dma_wait3A_48 : memref<40x128xi32, #tpu.memory_space<hbm>>) dst(%arg8 : memref<40x128xi32, #tpu.memory_space<vmem>>)
      tpu.yield
    }) : () -> ()
    %add3A_7 = arith.constant 0 : i32
    %add3A_8 = arith.addi %mul3A_4, %add3A_7 : i32
    "tpu.region"() ({
      %run_scoped3A = tpu.sem_alloc : memref<!tpu.dma_semaphore, #tpu.memory_space<semaphore_mem>>
      %dma_start3A_42 = arith.constant 0 : i32
      %dma_start3A_43 = tpu.memref_slice %arg4[%add3A_8, %dma_start3A_42] : memref<2560x128xi32, #tpu.memory_space<hbm>> -> memref<40x128xi32, #tpu.memory_space<hbm>>
      %dma_start3A_44 = arith.constant 0 : i32
      %dma_start3A_45 = tpu.memref_slice %arg4[%add3A_8, %dma_start3A_44] : memref<2560x128xi32, #tpu.memory_space<hbm>> -> memref<40x128xi32, #tpu.memory_space<hbm>>
      tpu.enqueue_dma source(%dma_start3A_45 : memref<40x128xi32, #tpu.memory_space<hbm>>) target(%arg9 : memref<40x128xi32, #tpu.memory_space<vmem>>) target_semaphore(%run_scoped3A : memref<!tpu.dma_semaphore, #tpu.memory_space<semaphore_mem>>)
      %dma_wait3A = arith.constant 0 : i32
      %dma_wait3A_46 = tpu.memref_slice %arg4[%add3A_8, %dma_wait3A] : memref<2560x128xi32, #tpu.memory_space<hbm>> -> memref<40x128xi32, #tpu.memory_space<hbm>>
      %dma_wait3A_47 = arith.constant 0 : i32
      %dma_wait3A_48 = tpu.memref_slice %arg4[%add3A_8, %dma_wait3A_47] : memref<2560x128xi32, #tpu.memory_space<hbm>> -> memref<40x128xi32, #tpu.memory_space<hbm>>
      tpu.wait_dma2 semaphore(%run_scoped3A : memref<!tpu.dma_semaphore, #tpu.memory_space<semaphore_mem>>) src(%dma_wait3A_48 : memref<40x128xi32, #tpu.memory_space<hbm>>) dst(%arg9 : memref<40x128xi32, #tpu.memory_space<vmem>>)
      tpu.yield
    }) : () -> ()
    %dma_start3A = arith.constant 0 : i32
    %dma_start3A_9 = arith.constant 0 : i32
    %dma_start3A_10 = tpu.memref_slice %arg8[%dma_start3A, %dma_start3A_9] : memref<40x128xi32, #tpu.memory_space<vmem>> -> memref<1x128xi32, #tpu.memory_space<vmem>>
    %dma_start3A_11 = tpu.memref_squeeze %dma_start3A_10 : memref<1x128xi32, #tpu.memory_space<vmem>> -> memref<128xi32, #tpu.memory_space<vmem>>
    %dma_start3A_12 = arith.constant 0 : i32
    %dma_start3A_13 = arith.constant 0 : i32
    %dma_start3A_14 = tpu.memref_slice %arg2[%dma_start3A_12, %dma_start3A_13] : memref<10016x128xf32, #tpu.memory_space<hbm>> -> memref<10016x128xf32, #tpu.memory_space<hbm>>
    tpu.enqueue_indirect_dma source(%dma_start3A_14 : memref<10016x128xf32, #tpu.memory_space<hbm>>) target(%arg10 : memref<128x128xf32, #tpu.memory_space<vmem>>) offsets(%dma_start3A_11 : memref<128xi32, #tpu.memory_space<vmem>>) semaphore(%arg12 : memref<!tpu.dma_semaphore, #tpu.memory_space<semaphore_mem>>)
    %scan3A = arith.constant 0 : i32
    %scan3A_15 = arith.constant 0 : i32
    %scan3A_16 = arith.constant 20 : i32
    %scan3A_17 = arith.addi %scan3A_15, %scan3A_16 : i32
    %scan3A_18 = arith.constant 1 : i32
    scf.for %scan3A_42 = %scan3A_15 to %scan3A_17 step %scan3A_18  : i32 {
      %mul3A_43 = arith.constant 2 : i32
      %mul3A_44 = arith.muli %mul3A_43, %scan3A_42 : i32
      %add3A_45 = arith.constant 0 : i32
      %add3A_46 = arith.addi %mul3A_44, %add3A_45 : i32
      %dma_wait3A = arith.constant 0 : i32
      %dma_wait3A_47 = tpu.memref_slice %arg8[%add3A_46, %dma_wait3A] : memref<40x128xi32, #tpu.memory_space<vmem>> -> memref<1x128xi32, #tpu.memory_space<vmem>>
      %dma_wait3A_48 = tpu.memref_squeeze %dma_wait3A_47 : memref<1x128xi32, #tpu.memory_space<vmem>> -> memref<128xi32, #tpu.memory_space<vmem>>
      %dma_wait3A_49 = arith.constant 0 : i32
      %dma_wait3A_50 = arith.constant 0 : i32
      %dma_wait3A_51 = tpu.memref_slice %arg2[%dma_wait3A_49, %dma_wait3A_50] : memref<10016x128xf32, #tpu.memory_space<hbm>> -> memref<10016x128xf32, #tpu.memory_space<hbm>>
      tpu.wait_indirect_dma semaphore(%arg12 : memref<!tpu.dma_semaphore, #tpu.memory_space<semaphore_mem>>) src(%dma_wait3A_51 : memref<10016x128xf32, #tpu.memory_space<hbm>>) dst(%arg10 : memref<128x128xf32, #tpu.memory_space<vmem>>)
      %add3A_52 = arith.constant 1 : i32
      %add3A_53 = arith.addi %add3A_46, %add3A_52 : i32
      %lt3A = arith.constant 40 : i32
      %lt3A_54 = arith.cmpi slt, %add3A_53, %lt3A : i32
      %convert_element_type3A = arith.extui %lt3A_54 : i1 to i32
      %cond3A = arith.constant 0 : i32
      %cond3A_55 = arith.cmpi ne, %convert_element_type3A, %cond3A : i32
      scf.if %cond3A_55 {
        %add3A_73 = arith.constant 1 : i32
        %add3A_74 = arith.addi %add3A_46, %add3A_73 : i32
        %dma_start3A_75 = arith.constant 0 : i32
        %dma_start3A_76 = tpu.memref_slice %arg8[%add3A_74, %dma_start3A_75] : memref<40x128xi32, #tpu.memory_space<vmem>> -> memref<1x128xi32, #tpu.memory_space<vmem>>
        %dma_start3A_77 = tpu.memref_squeeze %dma_start3A_76 : memref<1x128xi32, #tpu.memory_space<vmem>> -> memref<128xi32, #tpu.memory_space<vmem>>
        %dma_start3A_78 = arith.constant 0 : i32
        %dma_start3A_79 = arith.constant 0 : i32
        %dma_start3A_80 = tpu.memref_slice %arg2[%dma_start3A_78, %dma_start3A_79] : memref<10016x128xf32, #tpu.memory_space<hbm>> -> memref<10016x128xf32, #tpu.memory_space<hbm>>
        tpu.enqueue_indirect_dma source(%dma_start3A_80 : memref<10016x128xf32, #tpu.memory_space<hbm>>) target(%arg11 : memref<128x128xf32, #tpu.memory_space<vmem>>) offsets(%dma_start3A_77 : memref<128xi32, #tpu.memory_space<vmem>>) semaphore(%arg13 : memref<!tpu.dma_semaphore, #tpu.memory_space<semaphore_mem>>)
      } else {
      }
      "tpu.region"() ({
        %run_scoped3A = tpu.sem_alloc : memref<!tpu.dma_semaphore, #tpu.memory_space<semaphore_mem>>
        %dma_start3A_73 = arith.constant 0 : i32
        %dma_start3A_74 = tpu.memref_slice %arg9[%add3A_46, %dma_start3A_73] : memref<40x128xi32, #tpu.memory_space<vmem>> -> memref<1x128xi32, #tpu.memory_space<vmem>>
        %dma_start3A_75 = tpu.memref_squeeze %dma_start3A_74 : memref<1x128xi32, #tpu.memory_space<vmem>> -> memref<128xi32, #tpu.memory_space<vmem>>
        %dma_start3A_76 = arith.constant 0 : i32
        %dma_start3A_77 = arith.constant 0 : i32
        %dma_start3A_78 = tpu.memref_slice %arg7[%dma_start3A_76, %dma_start3A_77] : memref<10112x128xf32, #tpu.memory_space<vmem_shared>> -> memref<10112x128xf32, #tpu.memory_space<vmem_shared>>
        tpu.enqueue_indirect_dma source(%arg10 : memref<128x128xf32, #tpu.memory_space<vmem>>) target(%dma_start3A_78 : memref<10112x128xf32, #tpu.memory_space<vmem_shared>>) offsets(%dma_start3A_75 : memref<128xi32, #tpu.memory_space<vmem>>) semaphore(%run_scoped3A : memref<!tpu.dma_semaphore, #tpu.memory_space<semaphore_mem>>) {add = true}
        %dma_wait3A_79 = arith.constant 0 : i32
        %dma_wait3A_80 = tpu.memref_slice %arg9[%add3A_46, %dma_wait3A_79] : memref<40x128xi32, #tpu.memory_space<vmem>> -> memref<1x128xi32, #tpu.memory_space<vmem>>
        %dma_wait3A_81 = tpu.memref_squeeze %dma_wait3A_80 : memref<1x128xi32, #tpu.memory_space<vmem>> -> memref<128xi32, #tpu.memory_space<vmem>>
        %dma_wait3A_82 = arith.constant 0 : i32
        %dma_wait3A_83 = arith.constant 0 : i32
        %dma_wait3A_84 = tpu.memref_slice %arg7[%dma_wait3A_82, %dma_wait3A_83] : memref<10112x128xf32, #tpu.memory_space<vmem_shared>> -> memref<10112x128xf32, #tpu.memory_space<vmem_shared>>
        tpu.wait_indirect_dma semaphore(%run_scoped3A : memref<!tpu.dma_semaphore, #tpu.memory_space<semaphore_mem>>) src(%arg10 : memref<128x128xf32, #tpu.memory_space<vmem>>) dst(%dma_wait3A_84 : memref<10112x128xf32, #tpu.memory_space<vmem_shared>>)
        tpu.yield
      }) : () -> ()
      %mul3A_56 = arith.constant 2 : i32
      %mul3A_57 = arith.muli %mul3A_56, %scan3A_42 : i32
      %add3A_58 = arith.constant 1 : i32
      %add3A_59 = arith.addi %mul3A_57, %add3A_58 : i32
      %dma_wait3A_60 = arith.constant 0 : i32
      %dma_wait3A_61 = tpu.memref_slice %arg8[%add3A_59, %dma_wait3A_60] : memref<40x128xi32, #tpu.memory_space<vmem>> -> memref<1x128xi32, #tpu.memory_space<vmem>>
      %dma_wait3A_62 = tpu.memref_squeeze %dma_wait3A_61 : memref<1x128xi32, #tpu.memory_space<vmem>> -> memref<128xi32, #tpu.memory_space<vmem>>
      %dma_wait3A_63 = arith.constant 0 : i32
      %dma_wait3A_64 = arith.constant 0 : i32
      %dma_wait3A_65 = tpu.memref_slice %arg2[%dma_wait3A_63, %dma_wait3A_64] : memref<10016x128xf32, #tpu.memory_space<hbm>> -> memref<10016x128xf32, #tpu.memory_space<hbm>>
      tpu.wait_indirect_dma semaphore(%arg13 : memref<!tpu.dma_semaphore, #tpu.memory_space<semaphore_mem>>) src(%dma_wait3A_65 : memref<10016x128xf32, #tpu.memory_space<hbm>>) dst(%arg11 : memref<128x128xf32, #tpu.memory_space<vmem>>)
      %add3A_66 = arith.constant 1 : i32
      %add3A_67 = arith.addi %add3A_59, %add3A_66 : i32
      %lt3A_68 = arith.constant 40 : i32
      %lt3A_69 = arith.cmpi slt, %add3A_67, %lt3A_68 : i32
      %convert_element_type3A_70 = arith.extui %lt3A_69 : i1 to i32
      %cond3A_71 = arith.constant 0 : i32
      %cond3A_72 = arith.cmpi ne, %convert_element_type3A_70, %cond3A_71 : i32
      scf.if %cond3A_72 {
        %add3A_73 = arith.constant 1 : i32
        %add3A_74 = arith.addi %add3A_59, %add3A_73 : i32
        %dma_start3A_75 = arith.constant 0 : i32
        %dma_start3A_76 = tpu.memref_slice %arg8[%add3A_74, %dma_start3A_75] : memref<40x128xi32, #tpu.memory_space<vmem>> -> memref<1x128xi32, #tpu.memory_space<vmem>>
        %dma_start3A_77 = tpu.memref_squeeze %dma_start3A_76 : memref<1x128xi32, #tpu.memory_space<vmem>> -> memref<128xi32, #tpu.memory_space<vmem>>
        %dma_start3A_78 = arith.constant 0 : i32
        %dma_start3A_79 = arith.constant 0 : i32
        %dma_start3A_80 = tpu.memref_slice %arg2[%dma_start3A_78, %dma_start3A_79] : memref<10016x128xf32, #tpu.memory_space<hbm>> -> memref<10016x128xf32, #tpu.memory_space<hbm>>
        tpu.enqueue_indirect_dma source(%dma_start3A_80 : memref<10016x128xf32, #tpu.memory_space<hbm>>) target(%arg10 : memref<128x128xf32, #tpu.memory_space<vmem>>) offsets(%dma_start3A_77 : memref<128xi32, #tpu.memory_space<vmem>>) semaphore(%arg12 : memref<!tpu.dma_semaphore, #tpu.memory_space<semaphore_mem>>)
      } else {
      }
      "tpu.region"() ({
        %run_scoped3A = tpu.sem_alloc : memref<!tpu.dma_semaphore, #tpu.memory_space<semaphore_mem>>
        %dma_start3A_73 = arith.constant 0 : i32
        %dma_start3A_74 = tpu.memref_slice %arg9[%add3A_59, %dma_start3A_73] : memref<40x128xi32, #tpu.memory_space<vmem>> -> memref<1x128xi32, #tpu.memory_space<vmem>>
        %dma_start3A_75 = tpu.memref_squeeze %dma_start3A_74 : memref<1x128xi32, #tpu.memory_space<vmem>> -> memref<128xi32, #tpu.memory_space<vmem>>
        %dma_start3A_76 = arith.constant 0 : i32
        %dma_start3A_77 = arith.constant 0 : i32
        %dma_start3A_78 = tpu.memref_slice %arg7[%dma_start3A_76, %dma_start3A_77] : memref<10112x128xf32, #tpu.memory_space<vmem_shared>> -> memref<10112x128xf32, #tpu.memory_space<vmem_shared>>
        tpu.enqueue_indirect_dma source(%arg11 : memref<128x128xf32, #tpu.memory_space<vmem>>) target(%dma_start3A_78 : memref<10112x128xf32, #tpu.memory_space<vmem_shared>>) offsets(%dma_start3A_75 : memref<128xi32, #tpu.memory_space<vmem>>) semaphore(%run_scoped3A : memref<!tpu.dma_semaphore, #tpu.memory_space<semaphore_mem>>) {add = true}
        %dma_wait3A_79 = arith.constant 0 : i32
        %dma_wait3A_80 = tpu.memref_slice %arg9[%add3A_59, %dma_wait3A_79] : memref<40x128xi32, #tpu.memory_space<vmem>> -> memref<1x128xi32, #tpu.memory_space<vmem>>
        %dma_wait3A_81 = tpu.memref_squeeze %dma_wait3A_80 : memref<1x128xi32, #tpu.memory_space<vmem>> -> memref<128xi32, #tpu.memory_space<vmem>>
        %dma_wait3A_82 = arith.constant 0 : i32
        %dma_wait3A_83 = arith.constant 0 : i32
        %dma_wait3A_84 = tpu.memref_slice %arg7[%dma_wait3A_82, %dma_wait3A_83] : memref<10112x128xf32, #tpu.memory_space<vmem_shared>> -> memref<10112x128xf32, #tpu.memory_space<vmem_shared>>
        tpu.wait_indirect_dma semaphore(%run_scoped3A : memref<!tpu.dma_semaphore, #tpu.memory_space<semaphore_mem>>) src(%arg11 : memref<128x128xf32, #tpu.memory_space<vmem>>) dst(%dma_wait3A_84 : memref<10112x128xf32, #tpu.memory_space<vmem_shared>>)
        tpu.yield
      }) : () -> ()
    }
    %scan3A_19 = arith.constant 20 : i32
    %add3A_20 = arith.constant 40 : i32
    %add3A_21 = arith.addi %mul3A_4, %add3A_20 : i32
    "tpu.region"() ({
      %run_scoped3A = tpu.sem_alloc : memref<!tpu.dma_semaphore, #tpu.memory_space<semaphore_mem>>
      %dma_start3A_42 = arith.constant 0 : i32
      %dma_start3A_43 = tpu.memref_slice %arg3[%add3A_21, %dma_start3A_42] : memref<2560x128xi32, #tpu.memory_space<hbm>> -> memref<40x128xi32, #tpu.memory_space<hbm>>
      %dma_start3A_44 = arith.constant 0 : i32
      %dma_start3A_45 = tpu.memref_slice %arg3[%add3A_21, %dma_start3A_44] : memref<2560x128xi32, #tpu.memory_space<hbm>> -> memref<40x128xi32, #tpu.memory_space<hbm>>
      tpu.enqueue_dma source(%dma_start3A_45 : memref<40x128xi32, #tpu.memory_space<hbm>>) target(%arg8 : memref<40x128xi32, #tpu.memory_space<vmem>>) target_semaphore(%run_scoped3A : memref<!tpu.dma_semaphore, #tpu.memory_space<semaphore_mem>>)
      %dma_wait3A = arith.constant 0 : i32
      %dma_wait3A_46 = tpu.memref_slice %arg3[%add3A_21, %dma_wait3A] : memref<2560x128xi32, #tpu.memory_space<hbm>> -> memref<40x128xi32, #tpu.memory_space<hbm>>
      %dma_wait3A_47 = arith.constant 0 : i32
      %dma_wait3A_48 = tpu.memref_slice %arg3[%add3A_21, %dma_wait3A_47] : memref<2560x128xi32, #tpu.memory_space<hbm>> -> memref<40x128xi32, #tpu.memory_space<hbm>>
      tpu.wait_dma2 semaphore(%run_scoped3A : memref<!tpu.dma_semaphore, #tpu.memory_space<semaphore_mem>>) src(%dma_wait3A_48 : memref<40x128xi32, #tpu.memory_space<hbm>>) dst(%arg8 : memref<40x128xi32, #tpu.memory_space<vmem>>)
      tpu.yield
    }) : () -> ()
    %add3A_22 = arith.constant 40 : i32
    %add3A_23 = arith.addi %mul3A_4, %add3A_22 : i32
    "tpu.region"() ({
      %run_scoped3A = tpu.sem_alloc : memref<!tpu.dma_semaphore, #tpu.memory_space<semaphore_mem>>
      %dma_start3A_42 = arith.constant 0 : i32
      %dma_start3A_43 = tpu.memref_slice %arg4[%add3A_23, %dma_start3A_42] : memref<2560x128xi32, #tpu.memory_space<hbm>> -> memref<40x128xi32, #tpu.memory_space<hbm>>
      %dma_start3A_44 = arith.constant 0 : i32
      %dma_start3A_45 = tpu.memref_slice %arg4[%add3A_23, %dma_start3A_44] : memref<2560x128xi32, #tpu.memory_space<hbm>> -> memref<40x128xi32, #tpu.memory_space<hbm>>
      tpu.enqueue_dma source(%dma_start3A_45 : memref<40x128xi32, #tpu.memory_space<hbm>>) target(%arg9 : memref<40x128xi32, #tpu.memory_space<vmem>>) target_semaphore(%run_scoped3A : memref<!tpu.dma_semaphore, #tpu.memory_space<semaphore_mem>>)
      %dma_wait3A = arith.constant 0 : i32
      %dma_wait3A_46 = tpu.memref_slice %arg4[%add3A_23, %dma_wait3A] : memref<2560x128xi32, #tpu.memory_space<hbm>> -> memref<40x128xi32, #tpu.memory_space<hbm>>
      %dma_wait3A_47 = arith.constant 0 : i32
      %dma_wait3A_48 = tpu.memref_slice %arg4[%add3A_23, %dma_wait3A_47] : memref<2560x128xi32, #tpu.memory_space<hbm>> -> memref<40x128xi32, #tpu.memory_space<hbm>>
      tpu.wait_dma2 semaphore(%run_scoped3A : memref<!tpu.dma_semaphore, #tpu.memory_space<semaphore_mem>>) src(%dma_wait3A_48 : memref<40x128xi32, #tpu.memory_space<hbm>>) dst(%arg9 : memref<40x128xi32, #tpu.memory_space<vmem>>)
      tpu.yield
    }) : () -> ()
    %dma_start3A_24 = arith.constant 0 : i32
    %dma_start3A_25 = arith.constant 0 : i32
    %dma_start3A_26 = tpu.memref_slice %arg8[%dma_start3A_24, %dma_start3A_25] : memref<40x128xi32, #tpu.memory_space<vmem>> -> memref<1x128xi32, #tpu.memory_space<vmem>>
    %dma_start3A_27 = tpu.memref_squeeze %dma_start3A_26 : memref<1x128xi32, #tpu.memory_space<vmem>> -> memref<128xi32, #tpu.memory_space<vmem>>
    %dma_start3A_28 = arith.constant 0 : i32
    %dma_start3A_29 = arith.constant 0 : i32
    %dma_start3A_30 = tpu.memref_slice %arg2[%dma_start3A_28, %dma_start3A_29] : memref<10016x128xf32, #tpu.memory_space<hbm>> -> memref<10016x128xf32, #tpu.memory_space<hbm>>
    tpu.enqueue_indirect_dma source(%dma_start3A_30 : memref<10016x128xf32, #tpu.memory_space<hbm>>) target(%arg10 : memref<128x128xf32, #tpu.memory_space<vmem>>) offsets(%dma_start3A_27 : memref<128xi32, #tpu.memory_space<vmem>>) semaphore(%arg12 : memref<!tpu.dma_semaphore, #tpu.memory_space<semaphore_mem>>)
    %scan3A_31 = arith.constant 0 : i32
    %scan3A_32 = arith.constant 0 : i32
    %scan3A_33 = arith.constant 20 : i32
    %scan3A_34 = arith.addi %scan3A_32, %scan3A_33 : i32
    %scan3A_35 = arith.constant 1 : i32
    scf.for %scan3A_42 = %scan3A_32 to %scan3A_34 step %scan3A_35  : i32 {
      %mul3A_43 = arith.constant 2 : i32
      %mul3A_44 = arith.muli %mul3A_43, %scan3A_42 : i32
      %add3A_45 = arith.constant 0 : i32
      %add3A_46 = arith.addi %mul3A_44, %add3A_45 : i32
      %dma_wait3A = arith.constant 0 : i32
      %dma_wait3A_47 = tpu.memref_slice %arg8[%add3A_46, %dma_wait3A] : memref<40x128xi32, #tpu.memory_space<vmem>> -> memref<1x128xi32, #tpu.memory_space<vmem>>
      %dma_wait3A_48 = tpu.memref_squeeze %dma_wait3A_47 : memref<1x128xi32, #tpu.memory_space<vmem>> -> memref<128xi32, #tpu.memory_space<vmem>>
      %dma_wait3A_49 = arith.constant 0 : i32
      %dma_wait3A_50 = arith.constant 0 : i32
      %dma_wait3A_51 = tpu.memref_slice %arg2[%dma_wait3A_49, %dma_wait3A_50] : memref<10016x128xf32, #tpu.memory_space<hbm>> -> memref<10016x128xf32, #tpu.memory_space<hbm>>
      tpu.wait_indirect_dma semaphore(%arg12 : memref<!tpu.dma_semaphore, #tpu.memory_space<semaphore_mem>>) src(%dma_wait3A_51 : memref<10016x128xf32, #tpu.memory_space<hbm>>) dst(%arg10 : memref<128x128xf32, #tpu.memory_space<vmem>>)
      %add3A_52 = arith.constant 1 : i32
      %add3A_53 = arith.addi %add3A_46, %add3A_52 : i32
      %lt3A = arith.constant 40 : i32
      %lt3A_54 = arith.cmpi slt, %add3A_53, %lt3A : i32
      %convert_element_type3A = arith.extui %lt3A_54 : i1 to i32
      %cond3A = arith.constant 0 : i32
      %cond3A_55 = arith.cmpi ne, %convert_element_type3A, %cond3A : i32
      scf.if %cond3A_55 {
        %add3A_73 = arith.constant 1 : i32
        %add3A_74 = arith.addi %add3A_46, %add3A_73 : i32
        %dma_start3A_75 = arith.constant 0 : i32
        %dma_start3A_76 = tpu.memref_slice %arg8[%add3A_74, %dma_start3A_75] : memref<40x128xi32, #tpu.memory_space<vmem>> -> memref<1x128xi32, #tpu.memory_space<vmem>>
        %dma_start3A_77 = tpu.memref_squeeze %dma_start3A_76 : memref<1x128xi32, #tpu.memory_space<vmem>> -> memref<128xi32, #tpu.memory_space<vmem>>
        %dma_start3A_78 = arith.constant 0 : i32
        %dma_start3A_79 = arith.constant 0 : i32
        %dma_start3A_80 = tpu.memref_slice %arg2[%dma_start3A_78, %dma_start3A_79] : memref<10016x128xf32, #tpu.memory_space<hbm>> -> memref<10016x128xf32, #tpu.memory_space<hbm>>
        tpu.enqueue_indirect_dma source(%dma_start3A_80 : memref<10016x128xf32, #tpu.memory_space<hbm>>) target(%arg11 : memref<128x128xf32, #tpu.memory_space<vmem>>) offsets(%dma_start3A_77 : memref<128xi32, #tpu.memory_space<vmem>>) semaphore(%arg13 : memref<!tpu.dma_semaphore, #tpu.memory_space<semaphore_mem>>)
      } else {
      }
      "tpu.region"() ({
        %run_scoped3A = tpu.sem_alloc : memref<!tpu.dma_semaphore, #tpu.memory_space<semaphore_mem>>
        %dma_start3A_73 = arith.constant 0 : i32
        %dma_start3A_74 = tpu.memref_slice %arg9[%add3A_46, %dma_start3A_73] : memref<40x128xi32, #tpu.memory_space<vmem>> -> memref<1x128xi32, #tpu.memory_space<vmem>>
        %dma_start3A_75 = tpu.memref_squeeze %dma_start3A_74 : memref<1x128xi32, #tpu.memory_space<vmem>> -> memref<128xi32, #tpu.memory_space<vmem>>
        %dma_start3A_76 = arith.constant 0 : i32
        %dma_start3A_77 = arith.constant 0 : i32
        %dma_start3A_78 = tpu.memref_slice %arg7[%dma_start3A_76, %dma_start3A_77] : memref<10112x128xf32, #tpu.memory_space<vmem_shared>> -> memref<10112x128xf32, #tpu.memory_space<vmem_shared>>
        tpu.enqueue_indirect_dma source(%arg10 : memref<128x128xf32, #tpu.memory_space<vmem>>) target(%dma_start3A_78 : memref<10112x128xf32, #tpu.memory_space<vmem_shared>>) offsets(%dma_start3A_75 : memref<128xi32, #tpu.memory_space<vmem>>) semaphore(%run_scoped3A : memref<!tpu.dma_semaphore, #tpu.memory_space<semaphore_mem>>) {add = true}
        %dma_wait3A_79 = arith.constant 0 : i32
        %dma_wait3A_80 = tpu.memref_slice %arg9[%add3A_46, %dma_wait3A_79] : memref<40x128xi32, #tpu.memory_space<vmem>> -> memref<1x128xi32, #tpu.memory_space<vmem>>
        %dma_wait3A_81 = tpu.memref_squeeze %dma_wait3A_80 : memref<1x128xi32, #tpu.memory_space<vmem>> -> memref<128xi32, #tpu.memory_space<vmem>>
        %dma_wait3A_82 = arith.constant 0 : i32
        %dma_wait3A_83 = arith.constant 0 : i32
        %dma_wait3A_84 = tpu.memref_slice %arg7[%dma_wait3A_82, %dma_wait3A_83] : memref<10112x128xf32, #tpu.memory_space<vmem_shared>> -> memref<10112x128xf32, #tpu.memory_space<vmem_shared>>
        tpu.wait_indirect_dma semaphore(%run_scoped3A : memref<!tpu.dma_semaphore, #tpu.memory_space<semaphore_mem>>) src(%arg10 : memref<128x128xf32, #tpu.memory_space<vmem>>) dst(%dma_wait3A_84 : memref<10112x128xf32, #tpu.memory_space<vmem_shared>>)
        tpu.yield
      }) : () -> ()
      %mul3A_56 = arith.constant 2 : i32
      %mul3A_57 = arith.muli %mul3A_56, %scan3A_42 : i32
      %add3A_58 = arith.constant 1 : i32
      %add3A_59 = arith.addi %mul3A_57, %add3A_58 : i32
      %dma_wait3A_60 = arith.constant 0 : i32
      %dma_wait3A_61 = tpu.memref_slice %arg8[%add3A_59, %dma_wait3A_60] : memref<40x128xi32, #tpu.memory_space<vmem>> -> memref<1x128xi32, #tpu.memory_space<vmem>>
      %dma_wait3A_62 = tpu.memref_squeeze %dma_wait3A_61 : memref<1x128xi32, #tpu.memory_space<vmem>> -> memref<128xi32, #tpu.memory_space<vmem>>
      %dma_wait3A_63 = arith.constant 0 : i32
      %dma_wait3A_64 = arith.constant 0 : i32
      %dma_wait3A_65 = tpu.memref_slice %arg2[%dma_wait3A_63, %dma_wait3A_64] : memref<10016x128xf32, #tpu.memory_space<hbm>> -> memref<10016x128xf32, #tpu.memory_space<hbm>>
      tpu.wait_indirect_dma semaphore(%arg13 : memref<!tpu.dma_semaphore, #tpu.memory_space<semaphore_mem>>) src(%dma_wait3A_65 : memref<10016x128xf32, #tpu.memory_space<hbm>>) dst(%arg11 : memref<128x128xf32, #tpu.memory_space<vmem>>)
      %add3A_66 = arith.constant 1 : i32
      %add3A_67 = arith.addi %add3A_59, %add3A_66 : i32
      %lt3A_68 = arith.constant 40 : i32
      %lt3A_69 = arith.cmpi slt, %add3A_67, %lt3A_68 : i32
      %convert_element_type3A_70 = arith.extui %lt3A_69 : i1 to i32
      %cond3A_71 = arith.constant 0 : i32
      %cond3A_72 = arith.cmpi ne, %convert_element_type3A_70, %cond3A_71 : i32
      scf.if %cond3A_72 {
        %add3A_73 = arith.constant 1 : i32
        %add3A_74 = arith.addi %add3A_59, %add3A_73 : i32
        %dma_start3A_75 = arith.constant 0 : i32
        %dma_start3A_76 = tpu.memref_slice %arg8[%add3A_74, %dma_start3A_75] : memref<40x128xi32, #tpu.memory_space<vmem>> -> memref<1x128xi32, #tpu.memory_space<vmem>>
        %dma_start3A_77 = tpu.memref_squeeze %dma_start3A_76 : memref<1x128xi32, #tpu.memory_space<vmem>> -> memref<128xi32, #tpu.memory_space<vmem>>
        %dma_start3A_78 = arith.constant 0 : i32
        %dma_start3A_79 = arith.constant 0 : i32
        %dma_start3A_80 = tpu.memref_slice %arg2[%dma_start3A_78, %dma_start3A_79] : memref<10016x128xf32, #tpu.memory_space<hbm>> -> memref<10016x128xf32, #tpu.memory_space<hbm>>
        tpu.enqueue_indirect_dma source(%dma_start3A_80 : memref<10016x128xf32, #tpu.memory_space<hbm>>) target(%arg10 : memref<128x128xf32, #tpu.memory_space<vmem>>) offsets(%dma_start3A_77 : memref<128xi32, #tpu.memory_space<vmem>>) semaphore(%arg12 : memref<!tpu.dma_semaphore, #tpu.memory_space<semaphore_mem>>)
      } else {
      }
      "tpu.region"() ({
        %run_scoped3A = tpu.sem_alloc : memref<!tpu.dma_semaphore, #tpu.memory_space<semaphore_mem>>
        %dma_start3A_73 = arith.constant 0 : i32
        %dma_start3A_74 = tpu.memref_slice %arg9[%add3A_59, %dma_start3A_73] : memref<40x128xi32, #tpu.memory_space<vmem>> -> memref<1x128xi32, #tpu.memory_space<vmem>>
        %dma_start3A_75 = tpu.memref_squeeze %dma_start3A_74 : memref<1x128xi32, #tpu.memory_space<vmem>> -> memref<128xi32, #tpu.memory_space<vmem>>
        %dma_start3A_76 = arith.constant 0 : i32
        %dma_start3A_77 = arith.constant 0 : i32
        %dma_start3A_78 = tpu.memref_slice %arg7[%dma_start3A_76, %dma_start3A_77] : memref<10112x128xf32, #tpu.memory_space<vmem_shared>> -> memref<10112x128xf32, #tpu.memory_space<vmem_shared>>
        tpu.enqueue_indirect_dma source(%arg11 : memref<128x128xf32, #tpu.memory_space<vmem>>) target(%dma_start3A_78 : memref<10112x128xf32, #tpu.memory_space<vmem_shared>>) offsets(%dma_start3A_75 : memref<128xi32, #tpu.memory_space<vmem>>) semaphore(%run_scoped3A : memref<!tpu.dma_semaphore, #tpu.memory_space<semaphore_mem>>) {add = true}
        %dma_wait3A_79 = arith.constant 0 : i32
        %dma_wait3A_80 = tpu.memref_slice %arg9[%add3A_59, %dma_wait3A_79] : memref<40x128xi32, #tpu.memory_space<vmem>> -> memref<1x128xi32, #tpu.memory_space<vmem>>
        %dma_wait3A_81 = tpu.memref_squeeze %dma_wait3A_80 : memref<1x128xi32, #tpu.memory_space<vmem>> -> memref<128xi32, #tpu.memory_space<vmem>>
        %dma_wait3A_82 = arith.constant 0 : i32
        %dma_wait3A_83 = arith.constant 0 : i32
        %dma_wait3A_84 = tpu.memref_slice %arg7[%dma_wait3A_82, %dma_wait3A_83] : memref<10112x128xf32, #tpu.memory_space<vmem_shared>> -> memref<10112x128xf32, #tpu.memory_space<vmem_shared>>
        tpu.wait_indirect_dma semaphore(%run_scoped3A : memref<!tpu.dma_semaphore, #tpu.memory_space<semaphore_mem>>) src(%arg11 : memref<128x128xf32, #tpu.memory_space<vmem>>) dst(%dma_wait3A_84 : memref<10112x128xf32, #tpu.memory_space<vmem_shared>>)
        tpu.yield
      }) : () -> ()
    }
    %scan3A_36 = arith.constant 20 : i32
    %barrier3A_37 = arith.constant 0 : index
    tpu.barrier barrier_id(%barrier3A_37)
    %mul3A_38 = arith.constant 632 : i32
    %mul3A_39 = arith.muli %arg1, %mul3A_38 : i32
    %mul3A_40 = arith.constant 632 : i32
    %mul3A_41 = arith.muli %arg1, %mul3A_40 : i32
    "tpu.region"() ({
      %run_scoped3A = tpu.sem_alloc : memref<!tpu.dma_semaphore, #tpu.memory_space<semaphore_mem>>
      %dma_start3A_42 = arith.constant 0 : i32
      %dma_start3A_43 = tpu.memref_slice %arg6[%arg0, %mul3A_41, %dma_start3A_42] : memref<2x10112x128xf32, #tpu.memory_space<hbm>> -> memref<1x632x128xf32, #tpu.memory_space<hbm>>
      %dma_start3A_44 = tpu.memref_squeeze %dma_start3A_43 : memref<1x632x128xf32, #tpu.memory_space<hbm>> -> memref<632x128xf32, #tpu.memory_space<hbm>>
      %dma_start3A_45 = arith.constant 0 : i32
      %dma_start3A_46 = tpu.memref_slice %arg7[%mul3A_39, %dma_start3A_45] : memref<10112x128xf32, #tpu.memory_space<vmem_shared>> -> memref<632x128xf32, #tpu.memory_space<vmem_shared>>
      tpu.enqueue_dma source(%dma_start3A_46 : memref<632x128xf32, #tpu.memory_space<vmem_shared>>) target(%dma_start3A_44 : memref<632x128xf32, #tpu.memory_space<hbm>>) target_semaphore(%run_scoped3A : memref<!tpu.dma_semaphore, #tpu.memory_space<semaphore_mem>>)
      %dma_wait3A = arith.constant 0 : i32
      %dma_wait3A_47 = tpu.memref_slice %arg6[%arg0, %mul3A_41, %dma_wait3A] : memref<2x10112x128xf32, #tpu.memory_space<hbm>> -> memref<1x632x128xf32, #tpu.memory_space<hbm>>
      %dma_wait3A_48 = tpu.memref_squeeze %dma_wait3A_47 : memref<1x632x128xf32, #tpu.memory_space<hbm>> -> memref<632x128xf32, #tpu.memory_space<hbm>>
      %dma_wait3A_49 = arith.constant 0 : i32
      %dma_wait3A_50 = tpu.memref_slice %arg7[%mul3A_39, %dma_wait3A_49] : memref<10112x128xf32, #tpu.memory_space<vmem_shared>> -> memref<632x128xf32, #tpu.memory_space<vmem_shared>>
      tpu.wait_dma2 semaphore(%run_scoped3A : memref<!tpu.dma_semaphore, #tpu.memory_space<semaphore_mem>>) src(%dma_wait3A_50 : memref<632x128xf32, #tpu.memory_space<vmem_shared>>) dst(%dma_wait3A_48 : memref<632x128xf32, #tpu.memory_space<hbm>>)
      tpu.yield
    }) : () -> ()
    return
  }
}

module attributes {stable_mosaic.version = 14 : i64} {
  func.func @body(%arg0: i32, %arg1: memref<2x80x128xf32, #tpu.memory_space<vmem>>, %arg2: memref<80x128xf32, #tpu.memory_space<vmem>>, %arg3: memref<128x128xf32, #tpu.memory_space<vmem>>, %arg4: memref<128x128xf32, #tpu.memory_space<vmem>>, %arg5: memref<1x128xf32, #tpu.memory_space<vmem>>, %arg6: memref<80x128xf32, #tpu.memory_space<vmem>>) attributes {dimension_semantics = [#tpu.dimension_semantics<arbitrary>], iteration_bounds = array<i64: 125>, scalar_prefetch = 0 : i64, scratch_operands = 0 : i64, tpu.core_type = #tpu.core_type<tc>, window_params = [{transform_indices = @transform_0, window_bounds = array<i64: 2, 80, 128>}, {transform_indices = @transform_1, window_bounds = array<i64: 80, 128>}, {pipeline_mode = #tpu.pipeline_mode<synchronous>, transform_indices = @transform_2, window_bounds = array<i64: 128, 128>}, {pipeline_mode = #tpu.pipeline_mode<synchronous>, transform_indices = @transform_3, window_bounds = array<i64: 128, 128>}, {pipeline_mode = #tpu.pipeline_mode<synchronous>, transform_indices = @transform_4, window_bounds = array<i64: 1, 128>}, {transform_indices = @transform_5, window_bounds = array<i64: 80, 128>}]} {
    %get3A = arith.constant 0 : index
    %get3A_0 = arith.constant 0 : index
    %get3A_1 = arith.constant 0 : index
    %get3A_2 = vector.load %arg1[%get3A, %get3A_0, %get3A_1] : memref<2x80x128xf32, #tpu.memory_space<vmem>>, vector<1x80x128xf32>
    %get3A_3 = vector.shape_cast %get3A_2 : vector<1x80x128xf32> to vector<80x128xf32>
    %get3A_4 = arith.constant 1 : index
    %get3A_5 = arith.constant 0 : index
    %get3A_6 = arith.constant 0 : index
    %get3A_7 = vector.load %arg1[%get3A_4, %get3A_5, %get3A_6] : memref<2x80x128xf32, #tpu.memory_space<vmem>>, vector<1x80x128xf32>
    %get3A_8 = vector.shape_cast %get3A_7 : vector<1x80x128xf32> to vector<80x128xf32>
    %add3A = arith.addf %get3A_3, %get3A_8 : vector<80x128xf32>
    %get3A_9 = arith.constant 0 : index
    %get3A_10 = arith.constant 0 : index
    %get3A_11 = vector.load %arg3[%get3A_9, %get3A_10] : memref<128x128xf32, #tpu.memory_space<vmem>>, vector<128x128xf32>
    %dot_general3A = arith.constant dense<0.000000e+00> : vector<80x128xf32>
    %dot_general3A_12 = tpu.matmul %add3A, %get3A_11, %dot_general3A {dimension_numbers = #tpu.dot_dimension_numbers<[1], [1], [0], [0], [0, 0, 1, 0], [], []>, transpose_lhs_hint = false} : vector<80x128xf32>, vector<128x128xf32>, vector<80x128xf32> -> vector<80x128xf32>
    %get3A_13 = arith.constant 0 : index
    %get3A_14 = arith.constant 0 : index
    %get3A_15 = vector.load %arg2[%get3A_13, %get3A_14] : memref<80x128xf32, #tpu.memory_space<vmem>>, vector<80x128xf32>
    %get3A_16 = arith.constant 0 : index
    %get3A_17 = arith.constant 0 : index
    %get3A_18 = vector.load %arg4[%get3A_16, %get3A_17] : memref<128x128xf32, #tpu.memory_space<vmem>>, vector<128x128xf32>
    %dot_general3A_19 = arith.constant dense<0.000000e+00> : vector<80x128xf32>
    %dot_general3A_20 = tpu.matmul %get3A_15, %get3A_18, %dot_general3A_19 {dimension_numbers = #tpu.dot_dimension_numbers<[1], [1], [0], [0], [0, 0, 1, 0], [], []>, transpose_lhs_hint = false} : vector<80x128xf32>, vector<128x128xf32>, vector<80x128xf32> -> vector<80x128xf32>
    %add3A_21 = arith.addf %dot_general3A_12, %dot_general3A_20 : vector<80x128xf32>
    %get3A_22 = arith.constant 0 : index
    %get3A_23 = arith.constant 0 : index
    %get3A_24 = vector.load %arg5[%get3A_22, %get3A_23] : memref<1x128xf32, #tpu.memory_space<vmem>>, vector<1x128xf32>
    %add3A_25 = vector.broadcast %get3A_24 : vector<1x128xf32> to vector<80x128xf32>
    %add3A_26 = arith.addf %add3A_21, %add3A_25 : vector<80x128xf32>
    %swap3A = arith.constant 0 : index
    %swap3A_27 = arith.constant 0 : index
    %swap3A_28 = vector.load %arg6[%swap3A, %swap3A_27] : memref<80x128xf32, #tpu.memory_space<vmem>>, vector<80x128xf32>
    tpu.vector_store %arg6[%swap3A, %swap3A_27], %add3A_26 {strides = array<i32>} : memref<80x128xf32, #tpu.memory_space<vmem>>, vector<80x128xf32>,
    return
  }
  func.func @transform_0(%arg0: i32) -> (i32, i32, i32) {
    %c0_i32 = arith.constant 0 : i32
    %c0_i32_0 = arith.constant 0 : i32
    %c0_i32_1 = arith.constant 0 : i32
    return %c0_i32, %arg0, %c0_i32_0 : i32, i32, i32
  }
  func.func @transform_1(%arg0: i32) -> (i32, i32) {
    %c0_i32 = arith.constant 0 : i32
    %c0_i32_0 = arith.constant 0 : i32
    return %arg0, %c0_i32 : i32, i32
  }
  func.func @transform_2(%arg0: i32) -> (i32, i32) {
    %c0_i32 = arith.constant 0 : i32
    %c0_i32_0 = arith.constant 0 : i32
    %c0_i32_1 = arith.constant 0 : i32
    return %c0_i32, %c0_i32_0 : i32, i32
  }
  func.func @transform_3(%arg0: i32) -> (i32, i32) {
    %c0_i32 = arith.constant 0 : i32
    %c0_i32_0 = arith.constant 0 : i32
    %c0_i32_1 = arith.constant 0 : i32
    return %c0_i32, %c0_i32_0 : i32, i32
  }
  func.func @transform_4(%arg0: i32) -> (i32, i32) {
    %c0_i32 = arith.constant 0 : i32
    %c0_i32_0 = arith.constant 0 : i32
    %c0_i32_1 = arith.constant 0 : i32
    return %c0_i32, %c0_i32_0 : i32, i32
  }
  func.func @transform_5(%arg0: i32) -> (i32, i32) {
    %c0_i32 = arith.constant 0 : i32
    %c0_i32_0 = arith.constant 0 : i32
    return %arg0, %c0_i32 : i32, i32
  }
}

</mosaic_0001>

<sc_bundles>
// kernel: kernel.4.cloned.1.call-start
scs
__scs_entry_jumppad:
0x0: {  	(pc) =	sbr.rel $0x88, $3  }
0x1: {  	(tag) =	ssettag $0x0;
	lr =	simm.s32 $0x1  }
0x2: {  	[smem:$0x3F9C] =	sst lr;
	_ =	strace $0xD0000000  }
0x3: {  	_ = 	snop  }
0x4: {  	_ = 	snop  }
0x5: {  	_ = 	snop  }
0x6: {  	_ = 	snop  }
0x7: {  	_ = 	snop  }
__scs_overlays_trampoline_lowered:
0x8: {  	[smem:$0x3FAB] =	sst s0  }
0x9: {  	[smem:$0x3FAC] =	sst s1  }
0xa: {  	[smem:$0x3FAD] =	sst s2  }
0xb: {  	[smem:$0x3FAE] =	sst s3  }
0xc: {  	[smem:$0x3FAF] =	sst s4  }
0xd: {  	[smem:$0x3FB0] =	sst s5  }
0xe: {  	[smem:$0x3FB1] =	sst s6  }
0xf: {  	[smem:$0x3FB2] =	sst s7  }
0x10: {  	[smem:$0x3FB3] =	sst s8  }
0x11: {  	[smem:$0x3FB4] =	sst s9;
	s0 =	simm.s32 @!p0 $0x0  }
0x12: {  	s1 =	sld [smem:$0x3F9A];
	s0 =	simm.s32 @p0 $0x1  }
0x13: {  	[smem:$0x3FB5] =	sst s0;
	s0 =	simm.s32 @!p1 $0x0  }
0x14: {  	s2 =	sld [smem:$0x3F99];
	s0 =	simm.s32 @p1 $0x1  }
0x15: {  	[smem:$0x3FB6] =	sst s0;
	s0 =	simm.s32 @!p2 $0x0  }
0x16: {  	s3 =	sld [smem:$0x3FDB];
	s0 =	simm.s32 @p2 $0x1  }
0x17: {  	s4 =	simm.s32 $0x1BF5;
	[smem:$0x3FB8] =	sst s0  }
0x18: {  	s0 =	sld [smem:$0x3F9B];
	_ =	swait.ge [sflag:s4], $0x0  }
0x19: {  	s7 =	sld [smem:$0x3F9C]  }
0x1a: {  	s8 =	sadd.s32 $0xFFFFE003, lr  }
0x1b: {  	s9 =	sadd.s32 $0xFFFFFEF7, lr;
	s5 =	simm.s32 $0xFFFFFFFF;
	p2 =	slt.u32 s8, $0xFFFFF086  }
0x1c: {  	p1 =	slt.u32 s9, $0xF7A;
	s5 =	simm.s32 @!p2 $0x0  }
0x1d: {  	s5 =	simm.s32 @p1 $0x1;
	p0 =	seq.s32 s7, s2  }
0x1e: {  	s7 =	smul.u32 @!p0 $0xF7A, s2;
	p2 =	seq.s32 @!p0 s5, $0x0  }
0x1f: {  	s9 =	smul.u32 $0xF7A, s1;
	s8 =	simm.s32 @!p0 $0x1BF5;
	p2 =	por !p2, p0  }
0x20: {  	[sflag:s8] =	ssyncset.s32 @!p0 $0xFFFFF086;
	s6 =	sadd.s32 @!p0 s3, s7;
	s7 =	simm.s32 @!p0 $0x108  }
0x21: {  	s3 =	sadd.s32 s3, s9;
	s6 =	sadd.s32 @!p0 $0x88, s6;
	s7 =	simm.s32 @p2 $0x1082  }
0x22: {  	[simem:s7], [sflag:s8] =	dma.local @!p0 [hbm:s6], $0xF7A  }
0x23: {  	s9 =	sor.u32 $0xD0000000, s2;
	s6 =	simm.s32 $0x108;
	_ =	swait.ge @!p0 [sflag:s8], $0x0  }
0x24: {  	s3 =	sadd.s32 $0x88, s3;
	s6 =	simm.s32 @!p1 $0x1082;
	[sflag:s4] =	ssyncset.s32 $0xFFFFF086  }
0x25: {  	[simem:s6], [sflag:s4] =	dma.local [hbm:s3], $0xF7A  }
0x26: {  	[smem:$0x3F9C] =	sst s1;
	(tag) =	ssettag s2;
	_ =	strace s9  }
0x27: {  	s1 =	sld [smem:$0x3FAC]  }
0x28: {  	s2 =	sld [smem:$0x3FAD]  }
0x29: {  	s4 =	sld [smem:$0x3FAF]  }
0x2a: {  	p0 =	seq.s32 s5, $0x0;
	s5 =	sld [smem:$0x3FB0]  }
0x2b: {  	s6 =	sld [smem:$0x3FB1]  }
0x2c: {  	s7 =	sld [smem:$0x3FB2]  }
0x2d: {  	s3 =	simm.s32 $0x108;
	s8 =	sld [smem:$0x3FB3]  }
0x2e: {  	s3 =	simm.s32 @!p0 $0x1082;
	s9 =	sld [smem:$0x3FB4]  }
0x2f: {  	lr =	sadd.s32 s0, s3;
	s0 =	sld [smem:$0x3FAB]  }
0x30: {  	s3 =	sld [smem:$0x3FAE]  }
0x31: {  	[smem:$0x3FB7] =	sst s10  }
0x32: {  	s10 =	sld [smem:$0x3FB5];
	_ =	sdelay $0x3  }
0x33: {  	p0 =	seq.s32 s10, $0x1;
	s10 =	sld [smem:$0x3FB7];
	_ =	sdelay $0x3  }
0x34: {  	[smem:$0x3FB7] =	sst s10  }
0x35: {  	s10 =	sld [smem:$0x3FB6];
	_ =	sdelay $0x3  }
0x36: {  	p1 =	seq.s32 s10, $0x1;
	s10 =	sld [smem:$0x3FB7];
	_ =	sdelay $0x3  }
0x37: {  	[smem:$0x3FB7] =	sst s10  }
0x38: {  	s10 =	sld [smem:$0x3FB8]  }
0x39: {  	_ = 	snop;
	(pc) =	sbr.ind lr, $3  }
0x3a: {  	_ = 	snop  }
0x3b: {  	_ = 	snop  }
0x3c: {  	p2 =	seq.s32 s10, $0x1;
	s10 =	sld [smem:$0x3FB7]  }
0x3d: {  	_ =	shalt  }
0x3e: {  	_ =	shalt  }
0x3f: {  	_ =	shalt  }
0x40: {  	_ =	shalt  }
0x41: {  	_ =	shalt  }
0x42: {  	_ =	shalt  }
0x43: {  	_ =	shalt  }
0x44: {  	_ =	shalt  }
0x45: {  	_ =	shalt  }
0x46: {  	_ =	shalt  }
0x47: {  	_ =	shalt  }
0x48: {  	_ =	shalt  }
0x49: {  	_ =	shalt  }
0x4a: {  	_ =	shalt  }
0x4b: {  	_ =	shalt  }
0x4c: {  	_ =	shalt  }
0x4d: {  	_ =	shalt  }
0x4e: {  	_ =	shalt  }
0x4f: {  	_ =	shalt  }
0x50: {  	_ =	shalt  }
0x51: {  	_ =	shalt  }
0x52: {  	_ =	shalt  }
0x53: {  	_ =	shalt  }
0x54: {  	_ =	shalt  }
0x55: {  	_ =	shalt  }
0x56: {  	_ =	shalt  }
0x57: {  	_ =	shalt  }
0x58: {  	_ =	shalt  }
0x59: {  	_ =	shalt  }
0x5a: {  	_ =	shalt  }
0x5b: {  	_ =	shalt  }
0x5c: {  	_ =	shalt  }
0x5d: {  	_ =	shalt  }
0x5e: {  	_ =	shalt  }
0x5f: {  	_ =	shalt  }
0x60: {  	_ =	shalt  }
0x61: {  	_ =	shalt  }
0x62: {  	_ =	shalt  }
0x63: {  	_ =	shalt  }
0x64: {  	_ =	shalt  }
0x65: {  	_ =	shalt  }
0x66: {  	_ =	shalt  }
0x67: {  	_ =	shalt  }
0x68: {  	_ =	shalt  }
0x69: {  	_ =	shalt  }
0x6a: {  	_ =	shalt  }
0x6b: {  	_ =	shalt  }
0x6c: {  	_ =	shalt  }
0x6d: {  	_ =	shalt  }
0x6e: {  	_ =	shalt  }
0x6f: {  	_ =	shalt  }
0x70: {  	_ =	shalt  }
0x71: {  	_ =	shalt  }
0x72: {  	_ =	shalt  }
0x73: {  	_ =	shalt  }
0x74: {  	_ =	shalt  }
0x75: {  	_ =	shalt  }
0x76: {  	_ =	shalt  }
0x77: {  	_ =	shalt  }
0x78: {  	_ =	shalt  }
0x79: {  	_ =	shalt  }
0x7a: {  	_ =	shalt  }
0x7b: {  	_ =	shalt  }
0x7c: {  	_ =	shalt  }
0x7d: {  	_ =	shalt  }
0x7e: {  	_ =	shalt  }
0x7f: {  	_ =	shalt  }
0x80: {  	_ =	shalt  }
0x81: {  	_ =	shalt  }
0x82: {  	_ =	shalt  }
0x83: {  	_ =	shalt  }
0x84: {  	_ =	shalt  }
0x85: {  	_ =	shalt  }
0x86: {  	_ =	shalt  }
0x87: {  	_ =	shalt  }
.Lfunc_end0:
.L_simem_size_0:
called_computation_lowered:
.L_overlay_start_0:
0x88: {  	s2 =	sld [smem:$0x3FD9]  }
0x89: {  	s3 =	sld [smem:$0x3FFE];
	_ =	sdelay $0x1  }
0x8a: {  	s1 =	srdreg.scid  }
0x8b: {  	s0 =	sand.u32 $0x1, s1  }
0x8c: {  	s17 =	sshll.u32 s0, $0xA;
	s2 =	sadd.s32 s3, s2  }
0x8d: {  	s2 =	sadd.s32 s2, s17  }
0x8e: {  	[smem:$0x3FC3] =	sst s2  }
0x8f: {  	_ = 	snop  }
0x90: {  	s2 =	sld [smem:$0x3FD0];
	(tm) =	ssettm $0x1  }
0x91: {  	s18 =	sld [smem:$0x3FFB];
	_ =	sdelay $0x3  }
0x92: {  	_ =	strace s18  }
0x93: {  	s3 =	sld [smem:$0x3FFC];
	_ =	sdelay $0x3  }
0x94: {  	_ =	strace s3  }
0x95: {  	s3 =	sld [smem:$0x3FFD];
	_ =	sdelay $0x3  }
0x96: {  	_ =	strace s3  }
0x97: {  	_ =	strace $0x8FFFFFFF  }
0x98: {  	s19 =	sld [smem:$0x3FDB];
	_ =	sdelay $0x1  }
0x99: {  	s4 =	simm.s32 $_scs_section_size  }
0x9a: {  	s5 =	simm.s32 $_size__tile_overlayer_lowered;
	s6 =	simm.s32 $_tile_overlayer_lowered  }
0x9b: {  	s22 =	simm.s32 $0x1BFF;
	s21 =	sshll.u32 s6, $0x1;
	s3 =	sadd.s32 s4, s19  }
0x9c: {  	s7 =	simm.s32 $0x0;
	s20 =	sshll.u32 s5, $0x1;
	s5 =	sadd.s32 s21, s3  }
0x9d: {  	[timem:s7], [sflag:s22] =	dma.local [hbm:s5], s20  }
0x9e: {  	_ =	swait.ge [sflag:s22], s20  }
0x9f: {  	s4 =	ssub.s32 $0x0, s20;
	[sflag:s22] =	ssyncset.done $0x0  }
0xa0: {  	[sflag:s22] =	ssyncadd.s32 s4;
	_ =	sdelay $0x1  }
0xa1: {  	s23 =	simm.s32 $0x1B8B  }
0xa2: {  	_ =	swait.ge [sflag:s23], $0x1  }
0xa3: {  	[sflag:s23] =	ssyncset.done $0x0  }
0xa4: {  	s25 =	simm.s32 $0x1B8E;
	s24 =	sld [smem:$0x3FFE];
	[sflag:s23] =	ssyncadd.s32 $0xFFFFFFFF  }
0xa5: {  	s26 =	simm.s32 $execute0_lowered;
	[smem:$0x3FD2] =	sst s25  }
0xa6: {  	s5 =	sshll.u32 s26, $0x1;
	_ =	strace $0x80000046;
	[dreg:$0x1] =	wrdreg $0xFFFFFFFF  }
0xa7: {  	s28 =	simm.s32 $_size_execute0_lowered;
	s3 =	sadd.s32 s3, s5;
	[dreg:$0x0] =	wrdreg $0x0  }
0xa8: {  	s5 =	sshll.u32 s28, $0x1;
	[dreg:$0x2] =	wrdreg s3  }
0xa9: {  	[dreg:$0x3] =	wrdreg s5  }
0xaa: {  	[dreg:$0x4] =	wrdreg $0xC0  }
0xab: {  	_ =	task [dreg:s7], $0x5FFFF  }
0xac: {  	[dreg:$0x1] =	wrdreg $0xFFFFFFFF  }
0xad: {  	[dreg:$0x0] =	wrdreg $0x60  }
0xae: {  	[dreg:$0x2] =	wrdreg s24  }
0xaf: {  	[dreg:$0x3] =	wrdreg s2  }
0xb0: {  	[dreg:$0x4] =	wrdreg $0x0  }
0xb1: {  	[dreg:$0x5] =	wrdreg $0x9  }
0xb2: {  	_ =	task.clear_ibuf [dreg:s7], $0x6FFFF;
	_ =	strace $0x90000046  }
0xb3: {  	s29 =	simm.s32 $0x9;
	_ =	strace $0x80000048  }
0xb4: {  	_ =	swait.ge [sflag:s29], $0x1  }
0xb5: {  	[sflag:s29] =	ssyncadd.s32 $0xFFFFFFFF  }
0xb6: {  	_ =	strace $0x90000048  }
0xb7: {  	_ =	sfence  }
0xb8: {  	s30 =	sld [smem:$0x0];
	_ =	sdelay $0x2  }
0xb9: {  	s31 =	sshll.u32 s1, $0xD;
	s1 =	sshrl.u32 s1, $0x2  }
0xba: {  	s3 =	sand.u32 $0x4000, s31;
	s1 =	sadd.s32 s1, s30  }
0xbb: {  	s0 =	sor.u32 s3, s0;
	s1 =	sshll.u32 s1, $0x11  }
0xbc: {  	s0 =	sor.u32 s1, s0  }
0xbd: {  	s0 =	sadd.s32 $0x8F2B, s0  }
0xbe: {  	[sflag:s0] =	ssyncadd.remote.s32 $0x1  }
0xbf: {  	_ =	sfence.sel $0xFFFF  }
0xc0: {  	[dreg:$0x0] =	wrdreg $0xFFFFFFFF;
	(pc) =	sbr.abs _section_cstart, $3  }
0xc1: {  	[dreg:$0x1] =	wrdreg $0xFFFFFFFF  }
0xc2: {  	_ =	task.clear_ibuf [dreg:s7], $0x2FFFF;
	_ =	strace $0x9FFFFFFF  }
0xc3: {  	(tm) =	ssettm $0x7FFFFFFF  }
tec
execute0_lowered:
.L_overlay_start_1:
0x0: {  	(tag) =	ssettag $0x1  }
0x1: {  	s6 =	rddreg [dreg:$0x0]  }
0x2: {  	s9 =	rddreg [dreg:$0x1]  }
0x3: {  	s1 =	rddreg [dreg:$0x2]  }
0x4: {  	s2 =	srdreg.scid;
	s0 =	rddreg [dreg:$0x3];
	s3 =	simm.s32 $0x0  }
0x5: {  	s16 =	simm.s32 $0x15000;
	s17 =	simm.s32 $0x80;
	s18 =	simm.s32 $0x16400  }
0x6: {  	s19 =	simm.s32 $0x1;
	s20 =	simm.s32 $0x1A400;
	s21 =	simm.s32 $0x2  }
0x7: {  	s22 =	simm.s32 $0x14F80;
	s23 =	simm.s32 $0x16300;
	s24 =	simm.s32 $0x16380  }
0x8: {  	s25 =	simm.s32 $0x0;
	s7 =	sand.u32 $0x1, s2;
	s2 =	stileid.u32  }
0x9: {  	[smem:$0x7FF] =	sst s3;
	s4 =	sadd.s32 $0x600, s6;
	s5 =	smul.u32 $0x13C000, s7  }
0xa: {  	s10 =	sadd.s32 $0x27800, s6;
	s8 =	smul.u32 $0x13C00, s2;
	_ =	strace $0x80000047  }
0xb: {  	s11 =	sshll.u32 s7, $0x4;
	s7 =	ssub.s32 $0x2, s7;
	s12 =	smul.u32 $0x4F000, s2  }
0xc: {  	s30 =	sshll.u32 s2, $0x6;
	s11 =	sor.u32 s2, s11;
	s26 =	sshrl.u32 s7, $0x1  }
0xd: {  	s8 =	sadd.s32 s8, s5;
	s5 =	sadd.s32 $0x31800, s6;
	s28 =	smul.u32 $0x2800, s11  }
0xe: {  	s14 =	ssub.s32 s7, s26;
	s29 =	sshrl.u32 s12, $0x2;
	s11 =	smul.u32 $0x500, s11  }
0xf: {  	s8 =	sshrl.u32 s8, $0x3;
	s15 =	sadd.s32 s29, s1;
	s12 =	smax.u32 s14, $0x1  }
0x10: {  	s14 =	simm.s32 $0x3;
	s13 =	sadd.s32 s8, s6;
	s8 =	sshrl.u32 s28, $0x3  }
0x11: {  	s6 =	sor.u32 $0x1C03, s30;
	s7 =	sadd.s32 s9, s11;
	s31 =	sadd.s32 $0x280, s8  }
0x12: {  	s8 =	sadd.s32 s10, s11;
	s11 =	sadd.s32 $0x34000, s13;
	s13 =	sshrl.u32 s15, $0x3  }
0x13: {  	s15 =	simm.s32 $0x13C00;
	s9 =	sadd.s32 s9, s31;
	s10 =	sadd.s32 s10, s31  }
.LBB2_1:
0x14: {  	[spmem:s13], [sflag:s6] =	dma.local [hbm:s5], $0x2780  }
0x15: {  	_ =	swait.ge [sflag:s14], $0x2780  }
0x16: {  	[sflag:s14] =	ssyncset.done $0x0  }
0x17: {  	[sflag:s14] =	ssyncadd.s32 $0xFFFFD880  }
0x18: {  	[bflag:$0x0] =	sbarrier.arrive $0xFFFF  }
0x19: {  	[tilespmem:s15], [sflag:$0x3] =	stream.linear.gather [hbm4b:s7+s3], $0x1400, $0x38;
	[tilespmem:$0x1E400] =	vst v63  }
0x1a: {  	_ =	swait.ge [sflag:s14], $0x1400  }
0x1b: {  	[sflag:s14] =	ssyncset.done $0x0  }
0x1c: {  	[sflag:s14] =	ssyncadd.s32 $0xFFFFEC00  }
0x1d: {  	[tilespmem:s16], [sflag:$0x3] =	stream.linear.gather [hbm4b:s8+s3], $0x1400, $0x38;
	[tilespmem:$0x1E400] =	vst v63  }
0x1e: {  	_ =	swait.ge [sflag:s14], $0x1400  }
0x1f: {  	[sflag:s14] =	ssyncset.done $0x0  }
0x20: {  	[sflag:s14] =	ssyncadd.s32 $0xFFFFEC00  }
0x21: {  	[tilespmem:s18], [sflag:$0x1] =	stream.indirect.gather [hbm4b:s4+s17], $0x80, s15, s17, $0xb8;
	[tilespmem:$0x1E400] =	vst v63  }
0x22: {  	_ =	swait.ge [sflag:s19], $0x4000  }
0x23: {  	[sflag:s19] =	ssyncset.done $0x0  }
0x24: {  	s26 =	simm.s32 $0x13C80;
	[sflag:s19] =	ssyncadd.s32 $0xFFFFC000  }
0x25: {  	[tilespmem:s20], [sflag:$0x2] =	stream.indirect.gather [hbm4b:s4+s17], $0x80, s26, s17, $0xb8;
	[tilespmem:$0x1E400] =	vst v63  }
0x26: {  	s29 =	simm.s32 $0x15000  }
0x27: {  	[spmem:s1] =	stream.indirect.scatter.add.f32 [tilespmem:s18], [sflag:$0x3], $0x80, s29, s17, $0xb8;
	[tilespmem:$0x1E400] =	vst v63  }
0x28: {  	_ =	swait.ge [sflag:s14], $0x4000  }
0x29: {  	[sflag:s14] =	ssyncset.done $0x0  }
0x2a: {  	[sflag:s14] =	ssyncadd.s32 $0xFFFFC000  }
0x2b: {  	_ =	swait.ge [sflag:s21], $0x4000  }
0x2c: {  	[sflag:s21] =	ssyncset.done $0x0  }
0x2d: {  	s30 =	simm.s32 $0x13D00;
	[sflag:s21] =	ssyncadd.s32 $0xFFFFC000  }
0x2e: {  	[tilespmem:s18], [sflag:$0x1] =	stream.indirect.gather [hbm4b:s4+s17], $0x80, s30, s17, $0xb8;
	[tilespmem:$0x1E400] =	vst v63  }
0x2f: {  	s31 =	simm.s32 $0x15080  }
0x30: {  	[spmem:s1] =	stream.indirect.scatter.add.f32 [tilespmem:s20], [sflag:$0x3], $0x80, s31, s17, $0xb8;
	[tilespmem:$0x1E400] =	vst v63  }
0x31: {  	_ =	swait.ge [sflag:s14], $0x4000  }
0x32: {  	s26 =	simm.s32 $0x400;
	[sflag:s14] =	ssyncset.done $0x0  }
.LBB2_2:
0x33: {  	p0 =	sne.s32 s26, $0x4800  }
0x34: {  	[sflag:s14] =	ssyncadd.s32 $0xFFFFC000;
	s28 =	smov.u32 s26;
	s26 =	sadd.s32 $0x400, s26  }
0x35: {  	_ = 	snop  }
0x36: {  	_ =	swait.ge [sflag:s19], $0x4000  }
0x37: {  	s28 =	sshra.s32 s28, $0x2;
	[sflag:s19] =	ssyncset.done $0x0  }
0x38: {  	s29 =	sadd.s32 $0x13C80, s28;
	[sflag:s19] =	ssyncadd.s32 $0xFFFFC000  }
0x39: {  	[tilespmem:s20], [sflag:$0x2] =	stream.indirect.gather [hbm4b:s4+s17], $0x80, s29, s17, $0xb8;
	[tilespmem:$0x1E400] =	vst v63  }
0x3a: {  	s29 =	sadd.s32 $0x15000, s28  }
0x3b: {  	[spmem:s1] =	stream.indirect.scatter.add.f32 [tilespmem:s18], [sflag:$0x3], $0x80, s29, s17, $0xb8;
	[tilespmem:$0x1E400] =	vst v63  }
0x3c: {  	_ =	swait.ge [sflag:s14], $0x4000  }
0x3d: {  	[sflag:s14] =	ssyncset.done $0x0  }
0x3e: {  	[sflag:s14] =	ssyncadd.s32 $0xFFFFC000  }
0x3f: {  	_ =	swait.ge [sflag:s21], $0x4000  }
0x40: {  	[sflag:s21] =	ssyncset.done $0x0  }
0x41: {  	s29 =	sadd.s32 $0x13D00, s28;
	[sflag:s21] =	ssyncadd.s32 $0xFFFFC000  }
0x42: {  	[tilespmem:s18], [sflag:$0x1] =	stream.indirect.gather [hbm4b:s4+s17], $0x80, s29, s17, $0xb8;
	[tilespmem:$0x1E400] =	vst v63  }
.Ltmp0:
0x43: {  	_ = 	snop;
	(pc) =	sbr.rel @p0 .LBB2_2-.Ltmp0, $4  }
0x44: {  	s28 =	sadd.s32 $0x15080, s28  }
0x45: {  	[spmem:s1] =	stream.indirect.scatter.add.f32 [tilespmem:s20], [sflag:$0x3], $0x80, s28, s17, $0xb8;
	[tilespmem:$0x1E400] =	vst v63  }
0x46: {  	_ =	swait.ge [sflag:s14], $0x4000  }
0x47: {  	[sflag:s14] =	ssyncset.done $0x0  }
0x48: {  	[sflag:s14] =	ssyncadd.s32 $0xFFFFC000  }
0x49: {  	_ =	swait.ge [sflag:s19], $0x4000  }
0x4a: {  	[sflag:s19] =	ssyncset.done $0x0  }
0x4b: {  	[sflag:s19] =	ssyncadd.s32 $0xFFFFC000  }
0x4c: {  	[tilespmem:s20], [sflag:$0x2] =	stream.indirect.gather [hbm4b:s4+s17], $0x80, s22, s17, $0xb8;
	[tilespmem:$0x1E400] =	vst v63  }
0x4d: {  	_ = 	snop  }
0x4e: {  	[spmem:s1] =	stream.indirect.scatter.add.f32 [tilespmem:s18], [sflag:$0x3], $0x80, s23, s17, $0xb8;
	[tilespmem:$0x1E400] =	vst v63  }
0x4f: {  	_ =	swait.ge [sflag:s14], $0x4000  }
0x50: {  	[sflag:s14] =	ssyncset.done $0x0  }
0x51: {  	[sflag:s14] =	ssyncadd.s32 $0xFFFFC000  }
0x52: {  	_ =	swait.ge [sflag:s21], $0x4000  }
0x53: {  	[sflag:s21] =	ssyncset.done $0x0  }
0x54: {  	[sflag:s21] =	ssyncadd.s32 $0xFFFFC000  }
0x55: {  	[spmem:s1] =	stream.indirect.scatter.add.f32 [tilespmem:s20], [sflag:$0x3], $0x80, s24, s17, $0xb8;
	[tilespmem:$0x1E400] =	vst v63  }
0x56: {  	_ =	swait.ge [sflag:s14], $0x4000  }
0x57: {  	[sflag:s14] =	ssyncset.done $0x0  }
0x58: {  	s26 =	simm.s32 $0x0;
	[sflag:s14] =	ssyncadd.s32 $0xFFFFC000  }
0x59: {  	[tilespmem:s15], [sflag:$0x3] =	stream.linear.gather [hbm4b:s9+s26], $0x1400, $0x38;
	[tilespmem:$0x1E400] =	vst v63  }
0x5a: {  	_ =	swait.ge [sflag:s14], $0x1400  }
0x5b: {  	[sflag:s14] =	ssyncset.done $0x0  }
0x5c: {  	[sflag:s14] =	ssyncadd.s32 $0xFFFFEC00  }
0x5d: {  	[tilespmem:s16], [sflag:$0x3] =	stream.linear.gather [hbm4b:s10+s26], $0x1400, $0x38;
	[tilespmem:$0x1E400] =	vst v63  }
0x5e: {  	_ =	swait.ge [sflag:s14], $0x1400  }
0x5f: {  	[sflag:s14] =	ssyncset.done $0x0  }
0x60: {  	[sflag:s14] =	ssyncadd.s32 $0xFFFFEC00  }
0x61: {  	[tilespmem:s18], [sflag:$0x1] =	stream.indirect.gather [hbm4b:s4+s17], $0x80, s15, s17, $0xb8;
	[tilespmem:$0x1E400] =	vst v63  }
0x62: {  	_ =	swait.ge [sflag:s19], $0x4000  }
0x63: {  	[sflag:s19] =	ssyncset.done $0x0  }
0x64: {  	s28 =	simm.s32 $0x13C80;
	[sflag:s19] =	ssyncadd.s32 $0xFFFFC000  }
0x65: {  	[tilespmem:s20], [sflag:$0x2] =	stream.indirect.gather [hbm4b:s4+s17], $0x80, s28, s17, $0xb8;
	[tilespmem:$0x1E400] =	vst v63  }
0x66: {  	s29 =	simm.s32 $0x15000  }
0x67: {  	[spmem:s1] =	stream.indirect.scatter.add.f32 [tilespmem:s18], [sflag:$0x3], $0x80, s29, s17, $0xb8;
	[tilespmem:$0x1E400] =	vst v63  }
0x68: {  	_ =	swait.ge [sflag:s14], $0x4000  }
0x69: {  	[sflag:s14] =	ssyncset.done $0x0  }
0x6a: {  	[sflag:s14] =	ssyncadd.s32 $0xFFFFC000  }
0x6b: {  	_ =	swait.ge [sflag:s21], $0x4000  }
0x6c: {  	[sflag:s21] =	ssyncset.done $0x0  }
0x6d: {  	s30 =	simm.s32 $0x13D00;
	[sflag:s21] =	ssyncadd.s32 $0xFFFFC000  }
0x6e: {  	[tilespmem:s18], [sflag:$0x1] =	stream.indirect.gather [hbm4b:s4+s17], $0x80, s30, s17, $0xb8;
	[tilespmem:$0x1E400] =	vst v63  }
0x6f: {  	s31 =	simm.s32 $0x15080  }
0x70: {  	[spmem:s1] =	stream.indirect.scatter.add.f32 [tilespmem:s20], [sflag:$0x3], $0x80, s31, s17, $0xb8;
	[tilespmem:$0x1E400] =	vst v63  }
0x71: {  	_ =	swait.ge [sflag:s14], $0x4000  }
0x72: {  	s26 =	simm.s32 $0x400;
	[sflag:s14] =	ssyncset.done $0x0  }
.LBB2_4:
0x73: {  	p0 =	sne.s32 s26, $0x4800  }
0x74: {  	[sflag:s14] =	ssyncadd.s32 $0xFFFFC000;
	s28 =	smov.u32 s26;
	s26 =	sadd.s32 $0x400, s26  }
0x75: {  	_ = 	snop  }
0x76: {  	_ =	swait.ge [sflag:s19], $0x4000  }
0x77: {  	s28 =	sshra.s32 s28, $0x2;
	[sflag:s19] =	ssyncset.done $0x0  }
0x78: {  	s29 =	sadd.s32 $0x13C80, s28;
	[sflag:s19] =	ssyncadd.s32 $0xFFFFC000  }
0x79: {  	[tilespmem:s20], [sflag:$0x2] =	stream.indirect.gather [hbm4b:s4+s17], $0x80, s29, s17, $0xb8;
	[tilespmem:$0x1E400] =	vst v63  }
0x7a: {  	s29 =	sadd.s32 $0x15000, s28  }
0x7b: {  	[spmem:s1] =	stream.indirect.scatter.add.f32 [tilespmem:s18], [sflag:$0x3], $0x80, s29, s17, $0xb8;
	[tilespmem:$0x1E400] =	vst v63  }
0x7c: {  	_ =	swait.ge [sflag:s14], $0x4000  }
0x7d: {  	[sflag:s14] =	ssyncset.done $0x0  }
0x7e: {  	[sflag:s14] =	ssyncadd.s32 $0xFFFFC000  }
0x7f: {  	_ =	swait.ge [sflag:s21], $0x4000  }
0x80: {  	[sflag:s21] =	ssyncset.done $0x0  }
0x81: {  	s29 =	sadd.s32 $0x13D00, s28;
	[sflag:s21] =	ssyncadd.s32 $0xFFFFC000  }
0x82: {  	[tilespmem:s18], [sflag:$0x1] =	stream.indirect.gather [hbm4b:s4+s17], $0x80, s29, s17, $0xb8;
	[tilespmem:$0x1E400] =	vst v63  }
.Ltmp1:
0x83: {  	_ = 	snop;
	(pc) =	sbr.rel @p0 .LBB2_4-.Ltmp1, $4  }
0x84: {  	s28 =	sadd.s32 $0x15080, s28  }
0x85: {  	[spmem:s1] =	stream.indirect.scatter.add.f32 [tilespmem:s20], [sflag:$0x3], $0x80, s28, s17, $0xb8;
	[tilespmem:$0x1E400] =	vst v63  }
0x86: {  	_ =	swait.ge [sflag:s14], $0x4000  }
0x87: {  	[sflag:s14] =	ssyncset.done $0x0  }
0x88: {  	[sflag:s14] =	ssyncadd.s32 $0xFFFFC000  }
0x89: {  	_ =	swait.ge [sflag:s19], $0x4000  }
0x8a: {  	[sflag:s19] =	ssyncset.done $0x0  }
0x8b: {  	[sflag:s19] =	ssyncadd.s32 $0xFFFFC000  }
0x8c: {  	[tilespmem:s20], [sflag:$0x2] =	stream.indirect.gather [hbm4b:s4+s17], $0x80, s22, s17, $0xb8;
	[tilespmem:$0x1E400] =	vst v63  }
0x8d: {  	_ = 	snop  }
0x8e: {  	[spmem:s1] =	stream.indirect.scatter.add.f32 [tilespmem:s18], [sflag:$0x3], $0x80, s23, s17, $0xb8;
	[tilespmem:$0x1E400] =	vst v63  }
0x8f: {  	_ =	swait.ge [sflag:s14], $0x4000  }
0x90: {  	[sflag:s14] =	ssyncset.done $0x0  }
0x91: {  	[sflag:s14] =	ssyncadd.s32 $0xFFFFC000  }
0x92: {  	_ =	swait.ge [sflag:s21], $0x4000  }
0x93: {  	[sflag:s21] =	ssyncset.done $0x0  }
0x94: {  	[sflag:s21] =	ssyncadd.s32 $0xFFFFC000  }
0x95: {  	[spmem:s1] =	stream.indirect.scatter.add.f32 [tilespmem:s20], [sflag:$0x3], $0x80, s24, s17, $0xb8;
	[tilespmem:$0x1E400] =	vst v63  }
0x96: {  	_ =	swait.ge [sflag:s14], $0x4000  }
0x97: {  	s25 =	sadd.s32 $0x1, s25;
	[sflag:s14] =	ssyncset.done $0x0  }
0x98: {  	p0 =	sne.s32 s25, s12;
	[sflag:s14] =	ssyncadd.s32 $0xFFFFC000  }
.Ltmp2:
0x99: {  	[bflag:$0x0] =	sbarrier.arrive $0xFFFF;
	(pc) =	sbr.rel @p0 .LBB2_1-.Ltmp2, $4  }
0x9a: {  	[hbm:s11], [sflag:s6] =	dma.local [spmem:s13], $0x2780  }
0x9b: {  	_ =	swait.ge [sflag:s14], $0x2780  }
0x9c: {  	[sflag:s14] =	ssyncset.done $0x0  }
0x9d: {  	[sflag:s14] =	ssyncadd.s32 $0xFFFFD880  }
0x9e: {  	_ =	sfence.sel $0x180000  }
0x9f: {  	[bflag:$0x0] =	sbarrier.arrive $0xFFFF  }
0xa0: {  	p0 =	sne.s32 s2, $0x0;
	_ =	strace $0x90000047  }
0xa1: {  	s0 =	sadd.s32 @!p0 $0x100000, s0;
	[bflag:$0x2] =	sbarrier.arrive $0xFFFF  }
0xa2: {  	[sflag:s0] =	ssyncadd.tile.s32 @!p0 $0x1;
	_ =	shalt  }
.Lfunc_end2:
_tile_overlayer_lowered:
.L_overlay_start_2:
0xa3: {  	(tag) =	ssettag $0x2  }
0xa4: {  	s0 =	rddreg [dreg:$0x0];
	s2 =	stileid.u32  }
0xa5: {  	s1 =	rddreg [dreg:$0x1];
	p0 =	sne.s32 s2, $0x0  }
0xa6: {  	s3 =	rddreg [dreg:$0x2];
	[bflag:$0x3] =	sbarrier.arrive $0xFFFF;
	s2 =	simm.s32 @!p0 $0x1C03  }
0xa7: {  	[timem:s3], [sflag:s2] =	dma.local @!p0 [hbm:s0], s1  }
0xa8: {  	s0 =	simm.s32 @!p0 $0x3  }
0xa9: {  	_ =	swait.ge @!p0 [sflag:s0], s1  }
0xaa: {  	s1 =	ssub.s32 @!p0 $0x0, s1;
	[sflag:s0] =	ssyncset.done @!p0 $0x0  }
0xab: {  	[sflag:s0] =	ssyncadd.s32 @!p0 s1  }
0xac: {  	[bflag:$0x3] =	sbarrier.arrive $0xFFFF  }
0xad: {  	_ =	shalt  }

</sc_bundles>
